<compile_context>
chip_gen: v7x
topology: tpu7x:2x2x1
jax: 0.10.2.dev20260603
libtpu: 0.0.44.dev20260713+nightly
codegen_flags: <defaults>
</compile_context>

<pallas_src>
import functools

import jax
import jax.numpy as jnp
from jax import lax
from jax.experimental import pallas as pl
from jax.experimental.pallas import tpu as pltpu
from jax.experimental.pallas import tpu_sc as plsc

_HIDDEN = 768
_EXPERTS = 8
_SOFTCAP = 30.0
_RBLK = 2048
_SC_FRAC_BLKS = 8


def _gate_tc_body(x_ref, w_ref, out_ref):
    logits = lax.dot_general(
        w_ref[...], x_ref[...],
        (((1,), (1,)), ((), ())),
        preferred_element_type=jnp.float32,
    )
    out_ref[...] = jnp.tanh(logits * (1.0 / _SOFTCAP)) * _SOFTCAP


def _gate_logits_t(x2d, gate_w, nblk):
    return pl.pallas_call(
        _gate_tc_body,
        grid=(nblk,),
        in_specs=[
            pl.BlockSpec((_RBLK, _HIDDEN), lambda i: (i, 0)),
            pl.BlockSpec((_EXPERTS, _HIDDEN), lambda i: (0, 0)),
        ],
        out_specs=pl.BlockSpec((_EXPERTS, _RBLK), lambda i: (0, i)),
        out_shape=jax.ShapeDtypeStruct((_EXPERTS, nblk * _RBLK), jnp.float32),
    )(x2d, gate_w)


def _top2(l, sidx):
    m1 = jnp.max(l, axis=0, keepdims=True)
    i1 = jnp.min(jnp.where(l == m1, sidx, _EXPERTS), axis=0, keepdims=True)
    lm = jnp.where(sidx == i1, -1e9, l)
    m2 = jnp.max(lm, axis=0, keepdims=True)
    i2 = jnp.min(jnp.where(lm == m2, sidx, _EXPERTS), axis=0, keepdims=True)
    ed = jnp.exp(m2 - m1)
    w1 = 1.0 / (1.0 + ed)
    w2 = ed * w1
    return w1, w2, i1, i2


def _fused_tc_body(x_ref, w_ref, ow_ref, oi_ref):
    logits = lax.dot_general(
        w_ref[...], x_ref[...],
        (((1,), (1,)), ((), ())),
        preferred_element_type=jnp.float32,
    )
    l = jnp.tanh(logits * (1.0 / _SOFTCAP)) * _SOFTCAP
    sidx = lax.broadcasted_iota(jnp.int32, l.shape, 0)
    w1, w2, i1, i2 = _top2(l, sidx)
    ow_ref[...] = jnp.concatenate([w1, w2], axis=0)
    oi_ref[...] = jnp.concatenate([i1, i2], axis=0)


def _fused_tc(x2d, gate_w, blk0, nblk):
    return pl.pallas_call(
        _fused_tc_body,
        grid=(nblk,),
        in_specs=[
            pl.BlockSpec((_RBLK, _HIDDEN), lambda i: (i + blk0, 0)),
            pl.BlockSpec((_EXPERTS, _HIDDEN), lambda i: (0, 0)),
        ],
        out_specs=[
            pl.BlockSpec((2, _RBLK), lambda i: (0, i)),
            pl.BlockSpec((2, _RBLK), lambda i: (0, i)),
        ],
        out_shape=[
            jax.ShapeDtypeStruct((2, nblk * _RBLK), jnp.float32),
            jax.ShapeDtypeStruct((2, nblk * _RBLK), jnp.int32),
        ],
    )(x2d, gate_w)


def _routing_sc(logits_t):
    n = logits_t.shape[1]
    info = plsc.get_sparse_core_info()
    num_cores, num_subcores, lanes = (
        info.num_cores, info.num_subcores, info.num_lanes)
    workers = num_cores * num_subcores
    per_w = n // workers
    mesh = plsc.VectorSubcoreMesh(core_axis_name="c", subcore_axis_name="s")

    @functools.partial(
        pl.kernel,
        mesh=mesh,
        compiler_params=pltpu.CompilerParams(needs_layout_passes=False),
        out_type=[
            jax.ShapeDtypeStruct((2, n), jnp.float32),
            jax.ShapeDtypeStruct((2, n), jnp.int32),
        ],
        scratch_types=[
            pltpu.VMEM((_EXPERTS, per_w), jnp.float32),
            pltpu.VMEM((2, per_w), jnp.float32),
            pltpu.VMEM((2, per_w), jnp.int32),
        ],
    )
    def k(l_hbm, w_hbm, e_hbm, lv, wv, ev):
        wid = lax.axis_index("s") * num_cores + lax.axis_index("c")
        base = wid * per_w
        pltpu.sync_copy(l_hbm.at[:, pl.ds(base, per_w)], lv)

        def body(g, carry):
            off = g * lanes
            m1 = lv[0, pl.ds(off, lanes)]
            i1 = jnp.zeros((lanes,), jnp.int32)
            m2 = jnp.full((lanes,), -1e30, jnp.float32)
            i2 = jnp.zeros((lanes,), jnp.int32)
            for e in range(1, _EXPERTS):
                le = lv[e, pl.ds(off, lanes)]
                ei = jnp.full((lanes,), e, jnp.int32)
                gt1 = le > m1
                gt2 = le > m2
                m2 = jnp.where(gt1, m1, jnp.where(gt2, le, m2))
                i2 = jnp.where(gt1, i1, jnp.where(gt2, ei, i2))
                m1 = jnp.where(gt1, le, m1)
                i1 = jnp.where(gt1, ei, i1)
            ed = jnp.exp(m2 - m1)
            s = ed + 1.0
            wv[0, pl.ds(off, lanes)] = 1.0 / s
            wv[1, pl.ds(off, lanes)] = ed / s
            ev[0, pl.ds(off, lanes)] = i1
            ev[1, pl.ds(off, lanes)] = i2
            return carry

        lax.fori_loop(0, per_w // lanes, body, 0)
        pltpu.sync_copy(wv, w_hbm.at[:, pl.ds(base, per_w)])
        pltpu.sync_copy(ev, e_hbm.at[:, pl.ds(base, per_w)])

    rw, se = k(logits_t)
    return rw, se


def kernel(hidden_states, gate_w):
    b, s, h = hidden_states.shape
    x2d = hidden_states.reshape(-1, h)
    n = x2d.shape[0]
    nblk = n // _RBLK
    a_blks = _SC_FRAC_BLKS
    na = a_blks * _RBLK

    logits_a = _gate_logits_t(x2d, gate_w, a_blks)
    rw_a, se_a = _routing_sc(logits_a)
    rw_b, se_b = _fused_tc(x2d, gate_w, a_blks, nblk - a_blks)

    rw = jnp.concatenate([rw_a, rw_b], axis=1).T
    se = jnp.concatenate([se_a, se_b], axis=1).T
    return rw, se

# --- scband reference (transcript-rebuilt; emitter-appended) ---
"""Pipeline reference for scband-enhanced-mo-egate-15281493639598 (READ-ONLY COPY).

The authoritative reference and input builder live on the scoring server;
editing this copy changes nothing except your own understanding.
"""

import jax, jax.numpy as jnp
import numpy as np

HIDDEN = 768
NUM_EXPERTS = 8
TOP_K = 2
SOFTCAP = 30.0
BATCH = 4
SEQ = 8192

def setup_inputs(seed: int = 0) -> dict:
    key = jax.random.key(seed)
    k1, k2 = jax.random.split(key)
    hidden_states = jax.random.normal(k1, (BATCH, SEQ, HIDDEN), dtype=jnp.float32)
    # nn.Linear(hidden_size, num_experts, bias=False) -> weight shape [num_experts, hidden_size]
    gate_w = jax.random.normal(k2, (NUM_EXPERTS, HIDDEN), dtype=jnp.float32) * 0.02
    return {"hidden_states": hidden_states, "gate_w": gate_w}

def reference(hidden_states, gate_w):
    b, s, h = hidden_states.shape
    x = hidden_states.reshape(-1, h)
    gate_logits = x @ gate_w.T
    # softcapping
    gate_logits = gate_logits / SOFTCAP
    gate_logits = jnp.tanh(gate_logits)
    gate_logits = gate_logits * SOFTCAP
    # non-triton path: softmax -> topk -> renormalize
    routing_weights = jax.nn.softmax(gate_logits, axis=-1)
    routing_weights, selected_experts = jax.lax.top_k(routing_weights, TOP_K)
    routing_weights = routing_weights / jnp.sum(routing_weights, axis=-1, keepdims=True)
    return (routing_weights, selected_experts)

if __name__ == "__main__":
    import jax
    _d = setup_inputs()
    print(jax.jit(kernel)(*tuple(_d.values())))

</pallas_src>

<mosaic_0001>
#map = affine_map<(d0, d1) -> (0, 0)>
module attributes {stable_mosaic.version = 14 : i64} {
  func.func @k(%arg0: i32, %arg1: i32, %arg2: memref<8x16384xf32, #tpu.memory_space<hbm>>, %arg3: memref<2x16384xf32, #tpu.memory_space<hbm>>, %arg4: memref<2x16384xi32, #tpu.memory_space<hbm>>, %arg5: memref<8x512xf32, #tpu.memory_space<vmem>>, %arg6: memref<2x512xf32, #tpu.memory_space<vmem>>, %arg7: memref<2x512xi32, #tpu.memory_space<vmem>>) attributes {dimension_semantics = [#tpu.dimension_semantics<core_parallel>, #tpu.dimension_semantics<subcore_parallel>], iteration_bounds = array<i64: 2, 16>, scalar_prefetch = 0 : i64, scratch_operands = 3 : i64, tpu.core_type = #tpu.core_type<sc_vector_subcore>, window_params = [{transform_indices = #map}, {transform_indices = #map}, {transform_indices = #map}]} {
    %mul3A = arith.constant 2 : i32
    %mul3A_0 = arith.muli %arg1, %mul3A : i32
    %add3A = arith.addi %mul3A_0, %arg0 : i32
    %mul3A_1 = arith.constant 512 : i32
    %mul3A_2 = arith.muli %add3A, %mul3A_1 : i32
    "tpu.region"() ({
      %run_scoped3A = tpu.sem_alloc : memref<!tpu.dma_semaphore, #tpu.memory_space<semaphore_mem>>
      %dma_start3A = arith.constant 0 : i32
      %dma_start3A_8 = tpu.memref_slice %arg2[%dma_start3A, %mul3A_2] : memref<8x16384xf32, #tpu.memory_space<hbm>> -> memref<8x512xf32, #tpu.memory_space<hbm>>
      %dma_start3A_9 = arith.constant 0 : i32
      %dma_start3A_10 = tpu.memref_slice %arg2[%dma_start3A_9, %mul3A_2] : memref<8x16384xf32, #tpu.memory_space<hbm>> -> memref<8x512xf32, #tpu.memory_space<hbm>>
      tpu.enqueue_dma source(%dma_start3A_10 : memref<8x512xf32, #tpu.memory_space<hbm>>) target(%arg5 : memref<8x512xf32, #tpu.memory_space<vmem>>) target_semaphore(%run_scoped3A : memref<!tpu.dma_semaphore, #tpu.memory_space<semaphore_mem>>)
      %dma_wait3A = arith.constant 0 : i32
      %dma_wait3A_11 = tpu.memref_slice %arg2[%dma_wait3A, %mul3A_2] : memref<8x16384xf32, #tpu.memory_space<hbm>> -> memref<8x512xf32, #tpu.memory_space<hbm>>
      %dma_wait3A_12 = arith.constant 0 : i32
      %dma_wait3A_13 = tpu.memref_slice %arg2[%dma_wait3A_12, %mul3A_2] : memref<8x16384xf32, #tpu.memory_space<hbm>> -> memref<8x512xf32, #tpu.memory_space<hbm>>
      tpu.wait_dma2 semaphore(%run_scoped3A : memref<!tpu.dma_semaphore, #tpu.memory_space<semaphore_mem>>) src(%dma_wait3A_13 : memref<8x512xf32, #tpu.memory_space<hbm>>) dst(%arg5 : memref<8x512xf32, #tpu.memory_space<vmem>>)
      tpu.yield
    }) : () -> ()
    %scan3A = arith.constant 0 : i32
    %scan3A_3 = arith.constant 0 : i32
    %scan3A_4 = arith.constant 32 : i32
    %scan3A_5 = arith.addi %scan3A_3, %scan3A_4 : i32
    %scan3A_6 = arith.constant 1 : i32
    scf.for %scan3A_8 = %scan3A_3 to %scan3A_5 step %scan3A_6  : i32 {
      %mul3A_9 = arith.constant 16 : i32
      %mul3A_10 = arith.muli %scan3A_8, %mul3A_9 : i32
      %get3A = arith.constant 0 : i32
      %get3A_11 = arith.index_cast %get3A : i32 to index
      %get3A_12 = arith.index_cast %mul3A_10 : i32 to index
      %get3A_13 = tpu.vector_load %arg5[%get3A_11, %get3A_12] {strides = array<i32>} : memref<8x512xf32, #tpu.memory_space<vmem>>, vector<16xf32>,
      %broadcast_in_dim3A = arith.constant 0 : i32
      %broadcast_in_dim3A_14 = vector.broadcast %broadcast_in_dim3A : i32 to vector<16xi32>
      %broadcast_in_dim3A_15 = arith.constant -1.000000e+30 : f32
      %broadcast_in_dim3A_16 = vector.broadcast %broadcast_in_dim3A_15 : f32 to vector<16xf32>
      %broadcast_in_dim3A_17 = arith.constant 0 : i32
      %broadcast_in_dim3A_18 = vector.broadcast %broadcast_in_dim3A_17 : i32 to vector<16xi32>
      %get3A_19 = arith.constant 1 : i32
      %get3A_20 = arith.index_cast %get3A_19 : i32 to index
      %get3A_21 = arith.index_cast %mul3A_10 : i32 to index
      %get3A_22 = tpu.vector_load %arg5[%get3A_20, %get3A_21] {strides = array<i32>} : memref<8x512xf32, #tpu.memory_space<vmem>>, vector<16xf32>,
      %broadcast_in_dim3A_23 = arith.constant 1 : i32
      %broadcast_in_dim3A_24 = vector.broadcast %broadcast_in_dim3A_23 : i32 to vector<16xi32>
      %gt3A = arith.cmpf ogt, %get3A_22, %get3A_13 : vector<16xf32>
      %gt3A_25 = arith.cmpf ogt, %get3A_22, %broadcast_in_dim3A_16 : vector<16xf32>
      %select_n3A = arith.select %gt3A_25, %get3A_22, %broadcast_in_dim3A_16 : vector<16xi1>, vector<16xf32>
      %select_n3A_26 = arith.select %gt3A, %get3A_13, %select_n3A : vector<16xi1>, vector<16xf32>
      %select_n3A_27 = arith.select %gt3A_25, %broadcast_in_dim3A_24, %broadcast_in_dim3A_18 : vector<16xi1>, vector<16xi32>
      %select_n3A_28 = arith.select %gt3A, %broadcast_in_dim3A_14, %select_n3A_27 : vector<16xi1>, vector<16xi32>
      %select_n3A_29 = arith.select %gt3A, %get3A_22, %get3A_13 : vector<16xi1>, vector<16xf32>
      %select_n3A_30 = arith.select %gt3A, %broadcast_in_dim3A_24, %broadcast_in_dim3A_14 : vector<16xi1>, vector<16xi32>
      %get3A_31 = arith.constant 2 : i32
      %get3A_32 = arith.index_cast %get3A_31 : i32 to index
      %get3A_33 = arith.index_cast %mul3A_10 : i32 to index
      %get3A_34 = tpu.vector_load %arg5[%get3A_32, %get3A_33] {strides = array<i32>} : memref<8x512xf32, #tpu.memory_space<vmem>>, vector<16xf32>,
      %broadcast_in_dim3A_35 = arith.constant 2 : i32
      %broadcast_in_dim3A_36 = vector.broadcast %broadcast_in_dim3A_35 : i32 to vector<16xi32>
      %gt3A_37 = arith.cmpf ogt, %get3A_34, %select_n3A_29 : vector<16xf32>
      %gt3A_38 = arith.cmpf ogt, %get3A_34, %select_n3A_26 : vector<16xf32>
      %select_n3A_39 = arith.select %gt3A_38, %get3A_34, %select_n3A_26 : vector<16xi1>, vector<16xf32>
      %select_n3A_40 = arith.select %gt3A_37, %select_n3A_29, %select_n3A_39 : vector<16xi1>, vector<16xf32>
      %select_n3A_41 = arith.select %gt3A_38, %broadcast_in_dim3A_36, %select_n3A_28 : vector<16xi1>, vector<16xi32>
      %select_n3A_42 = arith.select %gt3A_37, %select_n3A_30, %select_n3A_41 : vector<16xi1>, vector<16xi32>
      %select_n3A_43 = arith.select %gt3A_37, %get3A_34, %select_n3A_29 : vector<16xi1>, vector<16xf32>
      %select_n3A_44 = arith.select %gt3A_37, %broadcast_in_dim3A_36, %select_n3A_30 : vector<16xi1>, vector<16xi32>
      %get3A_45 = arith.constant 3 : i32
      %get3A_46 = arith.index_cast %get3A_45 : i32 to index
      %get3A_47 = arith.index_cast %mul3A_10 : i32 to index
      %get3A_48 = tpu.vector_load %arg5[%get3A_46, %get3A_47] {strides = array<i32>} : memref<8x512xf32, #tpu.memory_space<vmem>>, vector<16xf32>,
      %broadcast_in_dim3A_49 = arith.constant 3 : i32
      %broadcast_in_dim3A_50 = vector.broadcast %broadcast_in_dim3A_49 : i32 to vector<16xi32>
      %gt3A_51 = arith.cmpf ogt, %get3A_48, %select_n3A_43 : vector<16xf32>
      %gt3A_52 = arith.cmpf ogt, %get3A_48, %select_n3A_40 : vector<16xf32>
      %select_n3A_53 = arith.select %gt3A_52, %get3A_48, %select_n3A_40 : vector<16xi1>, vector<16xf32>
      %select_n3A_54 = arith.select %gt3A_51, %select_n3A_43, %select_n3A_53 : vector<16xi1>, vector<16xf32>
      %select_n3A_55 = arith.select %gt3A_52, %broadcast_in_dim3A_50, %select_n3A_42 : vector<16xi1>, vector<16xi32>
      %select_n3A_56 = arith.select %gt3A_51, %select_n3A_44, %select_n3A_55 : vector<16xi1>, vector<16xi32>
      %select_n3A_57 = arith.select %gt3A_51, %get3A_48, %select_n3A_43 : vector<16xi1>, vector<16xf32>
      %select_n3A_58 = arith.select %gt3A_51, %broadcast_in_dim3A_50, %select_n3A_44 : vector<16xi1>, vector<16xi32>
      %get3A_59 = arith.constant 4 : i32
      %get3A_60 = arith.index_cast %get3A_59 : i32 to index
      %get3A_61 = arith.index_cast %mul3A_10 : i32 to index
      %get3A_62 = tpu.vector_load %arg5[%get3A_60, %get3A_61] {strides = array<i32>} : memref<8x512xf32, #tpu.memory_space<vmem>>, vector<16xf32>,
      %broadcast_in_dim3A_63 = arith.constant 4 : i32
      %broadcast_in_dim3A_64 = vector.broadcast %broadcast_in_dim3A_63 : i32 to vector<16xi32>
      %gt3A_65 = arith.cmpf ogt, %get3A_62, %select_n3A_57 : vector<16xf32>
      %gt3A_66 = arith.cmpf ogt, %get3A_62, %select_n3A_54 : vector<16xf32>
      %select_n3A_67 = arith.select %gt3A_66, %get3A_62, %select_n3A_54 : vector<16xi1>, vector<16xf32>
      %select_n3A_68 = arith.select %gt3A_65, %select_n3A_57, %select_n3A_67 : vector<16xi1>, vector<16xf32>
      %select_n3A_69 = arith.select %gt3A_66, %broadcast_in_dim3A_64, %select_n3A_56 : vector<16xi1>, vector<16xi32>
      %select_n3A_70 = arith.select %gt3A_65, %select_n3A_58, %select_n3A_69 : vector<16xi1>, vector<16xi32>
      %select_n3A_71 = arith.select %gt3A_65, %get3A_62, %select_n3A_57 : vector<16xi1>, vector<16xf32>
      %select_n3A_72 = arith.select %gt3A_65, %broadcast_in_dim3A_64, %select_n3A_58 : vector<16xi1>, vector<16xi32>
      %get3A_73 = arith.constant 5 : i32
      %get3A_74 = arith.index_cast %get3A_73 : i32 to index
      %get3A_75 = arith.index_cast %mul3A_10 : i32 to index
      %get3A_76 = tpu.vector_load %arg5[%get3A_74, %get3A_75] {strides = array<i32>} : memref<8x512xf32, #tpu.memory_space<vmem>>, vector<16xf32>,
      %broadcast_in_dim3A_77 = arith.constant 5 : i32
      %broadcast_in_dim3A_78 = vector.broadcast %broadcast_in_dim3A_77 : i32 to vector<16xi32>
      %gt3A_79 = arith.cmpf ogt, %get3A_76, %select_n3A_71 : vector<16xf32>
      %gt3A_80 = arith.cmpf ogt, %get3A_76, %select_n3A_68 : vector<16xf32>
      %select_n3A_81 = arith.select %gt3A_80, %get3A_76, %select_n3A_68 : vector<16xi1>, vector<16xf32>
      %select_n3A_82 = arith.select %gt3A_79, %select_n3A_71, %select_n3A_81 : vector<16xi1>, vector<16xf32>
      %select_n3A_83 = arith.select %gt3A_80, %broadcast_in_dim3A_78, %select_n3A_70 : vector<16xi1>, vector<16xi32>
      %select_n3A_84 = arith.select %gt3A_79, %select_n3A_72, %select_n3A_83 : vector<16xi1>, vector<16xi32>
      %select_n3A_85 = arith.select %gt3A_79, %get3A_76, %select_n3A_71 : vector<16xi1>, vector<16xf32>
      %select_n3A_86 = arith.select %gt3A_79, %broadcast_in_dim3A_78, %select_n3A_72 : vector<16xi1>, vector<16xi32>
      %get3A_87 = arith.constant 6 : i32
      %get3A_88 = arith.index_cast %get3A_87 : i32 to index
      %get3A_89 = arith.index_cast %mul3A_10 : i32 to index
      %get3A_90 = tpu.vector_load %arg5[%get3A_88, %get3A_89] {strides = array<i32>} : memref<8x512xf32, #tpu.memory_space<vmem>>, vector<16xf32>,
      %broadcast_in_dim3A_91 = arith.constant 6 : i32
      %broadcast_in_dim3A_92 = vector.broadcast %broadcast_in_dim3A_91 : i32 to vector<16xi32>
      %gt3A_93 = arith.cmpf ogt, %get3A_90, %select_n3A_85 : vector<16xf32>
      %gt3A_94 = arith.cmpf ogt, %get3A_90, %select_n3A_82 : vector<16xf32>
      %select_n3A_95 = arith.select %gt3A_94, %get3A_90, %select_n3A_82 : vector<16xi1>, vector<16xf32>
      %select_n3A_96 = arith.select %gt3A_93, %select_n3A_85, %select_n3A_95 : vector<16xi1>, vector<16xf32>
      %select_n3A_97 = arith.select %gt3A_94, %broadcast_in_dim3A_92, %select_n3A_84 : vector<16xi1>, vector<16xi32>
      %select_n3A_98 = arith.select %gt3A_93, %select_n3A_86, %select_n3A_97 : vector<16xi1>, vector<16xi32>
      %select_n3A_99 = arith.select %gt3A_93, %get3A_90, %select_n3A_85 : vector<16xi1>, vector<16xf32>
      %select_n3A_100 = arith.select %gt3A_93, %broadcast_in_dim3A_92, %select_n3A_86 : vector<16xi1>, vector<16xi32>
      %get3A_101 = arith.constant 7 : i32
      %get3A_102 = arith.index_cast %get3A_101 : i32 to index
      %get3A_103 = arith.index_cast %mul3A_10 : i32 to index
      %get3A_104 = tpu.vector_load %arg5[%get3A_102, %get3A_103] {strides = array<i32>} : memref<8x512xf32, #tpu.memory_space<vmem>>, vector<16xf32>,
      %broadcast_in_dim3A_105 = arith.constant 7 : i32
      %broadcast_in_dim3A_106 = vector.broadcast %broadcast_in_dim3A_105 : i32 to vector<16xi32>
      %gt3A_107 = arith.cmpf ogt, %get3A_104, %select_n3A_99 : vector<16xf32>
      %gt3A_108 = arith.cmpf ogt, %get3A_104, %select_n3A_96 : vector<16xf32>
      %select_n3A_109 = arith.select %gt3A_108, %get3A_104, %select_n3A_96 : vector<16xi1>, vector<16xf32>
      %select_n3A_110 = arith.select %gt3A_107, %select_n3A_99, %select_n3A_109 : vector<16xi1>, vector<16xf32>
      %select_n3A_111 = arith.select %gt3A_108, %broadcast_in_dim3A_106, %select_n3A_98 : vector<16xi1>, vector<16xi32>
      %select_n3A_112 = arith.select %gt3A_107, %select_n3A_100, %select_n3A_111 : vector<16xi1>, vector<16xi32>
      %select_n3A_113 = arith.select %gt3A_107, %get3A_104, %select_n3A_99 : vector<16xi1>, vector<16xf32>
      %select_n3A_114 = arith.select %gt3A_107, %broadcast_in_dim3A_106, %select_n3A_100 : vector<16xi1>, vector<16xi32>
      %sub3A = arith.subf %select_n3A_110, %select_n3A_113 : vector<16xf32>
      %exp3A = math.exp %sub3A : vector<16xf32>
      %add3A_115 = arith.constant 1.000000e+00 : f32
      %add3A_116 = vector.broadcast %add3A_115 : f32 to vector<16xf32>
      %add3A_117 = arith.addf %exp3A, %add3A_116 : vector<16xf32>
      %div3A = arith.constant 1.000000e+00 : f32
      %div3A_118 = vector.broadcast %div3A : f32 to vector<16xf32>
      %div3A_119 = arith.divf %div3A_118, %add3A_117 : vector<16xf32>
      %swap3A = arith.constant 0 : i32
      %swap3A_120 = arith.index_cast %swap3A : i32 to index
      %swap3A_121 = arith.index_cast %mul3A_10 : i32 to index
      %swap3A_122 = tpu.vector_load %arg6[%swap3A_120, %swap3A_121] {strides = array<i32>} : memref<2x512xf32, #tpu.memory_space<vmem>>, vector<16xf32>,
      tpu.vector_store %arg6[%swap3A_120, %swap3A_121], %div3A_119 {strides = array<i32>} : memref<2x512xf32, #tpu.memory_space<vmem>>, vector<16xf32>,
      %div3A_123 = arith.divf %exp3A, %add3A_117 : vector<16xf32>
      %swap3A_124 = arith.constant 1 : i32
      %swap3A_125 = arith.index_cast %swap3A_124 : i32 to index
      %swap3A_126 = arith.index_cast %mul3A_10 : i32 to index
      %swap3A_127 = tpu.vector_load %arg6[%swap3A_125, %swap3A_126] {strides = array<i32>} : memref<2x512xf32, #tpu.memory_space<vmem>>, vector<16xf32>,
      tpu.vector_store %arg6[%swap3A_125, %swap3A_126], %div3A_123 {strides = array<i32>} : memref<2x512xf32, #tpu.memory_space<vmem>>, vector<16xf32>,
      %swap3A_128 = arith.constant 0 : i32
      %swap3A_129 = arith.index_cast %swap3A_128 : i32 to index
      %swap3A_130 = arith.index_cast %mul3A_10 : i32 to index
      %swap3A_131 = tpu.vector_load %arg7[%swap3A_129, %swap3A_130] {strides = array<i32>} : memref<2x512xi32, #tpu.memory_space<vmem>>, vector<16xi32>,
      tpu.vector_store %arg7[%swap3A_129, %swap3A_130], %select_n3A_114 {strides = array<i32>} : memref<2x512xi32, #tpu.memory_space<vmem>>, vector<16xi32>,
      %swap3A_132 = arith.constant 1 : i32
      %swap3A_133 = arith.index_cast %swap3A_132 : i32 to index
      %swap3A_134 = arith.index_cast %mul3A_10 : i32 to index
      %swap3A_135 = tpu.vector_load %arg7[%swap3A_133, %swap3A_134] {strides = array<i32>} : memref<2x512xi32, #tpu.memory_space<vmem>>, vector<16xi32>,
      tpu.vector_store %arg7[%swap3A_133, %swap3A_134], %select_n3A_112 {strides = array<i32>} : memref<2x512xi32, #tpu.memory_space<vmem>>, vector<16xi32>,
    }
    %scan3A_7 = arith.constant 32 : i32
    "tpu.region"() ({
      %run_scoped3A = tpu.sem_alloc : memref<!tpu.dma_semaphore, #tpu.memory_space<semaphore_mem>>
      %dma_start3A = arith.constant 0 : i32
      %dma_start3A_8 = tpu.memref_slice %arg3[%dma_start3A, %mul3A_2] : memref<2x16384xf32, #tpu.memory_space<hbm>> -> memref<2x512xf32, #tpu.memory_space<hbm>>
      %dma_start3A_9 = arith.constant 0 : i32
      %dma_start3A_10 = tpu.memref_slice %arg3[%dma_start3A_9, %mul3A_2] : memref<2x16384xf32, #tpu.memory_space<hbm>> -> memref<2x512xf32, #tpu.memory_space<hbm>>
      tpu.enqueue_dma source(%arg6 : memref<2x512xf32, #tpu.memory_space<vmem>>) target(%dma_start3A_10 : memref<2x512xf32, #tpu.memory_space<hbm>>) target_semaphore(%run_scoped3A : memref<!tpu.dma_semaphore, #tpu.memory_space<semaphore_mem>>)
      %dma_wait3A = arith.constant 0 : i32
      %dma_wait3A_11 = tpu.memref_slice %arg3[%dma_wait3A, %mul3A_2] : memref<2x16384xf32, #tpu.memory_space<hbm>> -> memref<2x512xf32, #tpu.memory_space<hbm>>
      %dma_wait3A_12 = arith.constant 0 : i32
      %dma_wait3A_13 = tpu.memref_slice %arg3[%dma_wait3A_12, %mul3A_2] : memref<2x16384xf32, #tpu.memory_space<hbm>> -> memref<2x512xf32, #tpu.memory_space<hbm>>
      tpu.wait_dma2 semaphore(%run_scoped3A : memref<!tpu.dma_semaphore, #tpu.memory_space<semaphore_mem>>) src(%arg6 : memref<2x512xf32, #tpu.memory_space<vmem>>) dst(%dma_wait3A_13 : memref<2x512xf32, #tpu.memory_space<hbm>>)
      tpu.yield
    }) : () -> ()
    "tpu.region"() ({
      %run_scoped3A = tpu.sem_alloc : memref<!tpu.dma_semaphore, #tpu.memory_space<semaphore_mem>>
      %dma_start3A = arith.constant 0 : i32
      %dma_start3A_8 = tpu.memref_slice %arg4[%dma_start3A, %mul3A_2] : memref<2x16384xi32, #tpu.memory_space<hbm>> -> memref<2x512xi32, #tpu.memory_space<hbm>>
      %dma_start3A_9 = arith.constant 0 : i32
      %dma_start3A_10 = tpu.memref_slice %arg4[%dma_start3A_9, %mul3A_2] : memref<2x16384xi32, #tpu.memory_space<hbm>> -> memref<2x512xi32, #tpu.memory_space<hbm>>
      tpu.enqueue_dma source(%arg7 : memref<2x512xi32, #tpu.memory_space<vmem>>) target(%dma_start3A_10 : memref<2x512xi32, #tpu.memory_space<hbm>>) target_semaphore(%run_scoped3A : memref<!tpu.dma_semaphore, #tpu.memory_space<semaphore_mem>>)
      %dma_wait3A = arith.constant 0 : i32
      %dma_wait3A_11 = tpu.memref_slice %arg4[%dma_wait3A, %mul3A_2] : memref<2x16384xi32, #tpu.memory_space<hbm>> -> memref<2x512xi32, #tpu.memory_space<hbm>>
      %dma_wait3A_12 = arith.constant 0 : i32
      %dma_wait3A_13 = tpu.memref_slice %arg4[%dma_wait3A_12, %mul3A_2] : memref<2x16384xi32, #tpu.memory_space<hbm>> -> memref<2x512xi32, #tpu.memory_space<hbm>>
      tpu.wait_dma2 semaphore(%run_scoped3A : memref<!tpu.dma_semaphore, #tpu.memory_space<semaphore_mem>>) src(%arg7 : memref<2x512xi32, #tpu.memory_space<vmem>>) dst(%dma_wait3A_13 : memref<2x512xi32, #tpu.memory_space<hbm>>)
      tpu.yield
    }) : () -> ()
    return
  }
}

module attributes {stable_mosaic.version = 14 : i64} {
  func.func @_gate_tc_body(%arg0: i32, %arg1: memref<2048x768xf32, #tpu.memory_space<vmem>>, %arg2: memref<8x768xf32, #tpu.memory_space<vmem>>, %arg3: memref<8x2048xf32, #tpu.memory_space<vmem>>) attributes {dimension_semantics = [#tpu.dimension_semantics<arbitrary>], iteration_bounds = array<i64: 8>, scalar_prefetch = 0 : i64, scratch_operands = 0 : i64, tpu.core_type = #tpu.core_type<tc>, window_params = [{transform_indices = @transform_0, window_bounds = array<i64: 2048, 768>}, {pipeline_mode = #tpu.pipeline_mode<synchronous>, transform_indices = @transform_1, window_bounds = array<i64: 8, 768>}, {transform_indices = @transform_2, window_bounds = array<i64: 8, 2048>}]} {
    %get3A = arith.constant 0 : index
    %get3A_0 = arith.constant 0 : index
    %get3A_1 = vector.load %arg2[%get3A, %get3A_0] : memref<8x768xf32, #tpu.memory_space<vmem>>, vector<8x768xf32>
    %get3A_2 = arith.constant 0 : index
    %get3A_3 = arith.constant 0 : index
    %get3A_4 = vector.load %arg1[%get3A_2, %get3A_3] : memref<2048x768xf32, #tpu.memory_space<vmem>>, vector<2048x768xf32>
    %dot_general3A = arith.constant dense<0.000000e+00> : vector<8x2048xf32>
    %dot_general3A_5 = tpu.matmul %get3A_1, %get3A_4, %dot_general3A {dimension_numbers = #tpu.dot_dimension_numbers<[1], [1], [0], [0], [0, 0, 1, 0], [], []>, transpose_lhs_hint = false} : vector<8x768xf32>, vector<2048x768xf32>, vector<8x2048xf32> -> vector<8x2048xf32>
    %mul3A = arith.constant 0.0333333351 : f32
    %mul3A_6 = vector.broadcast %mul3A : f32 to vector<8x2048xf32>
    %mul3A_7 = arith.mulf %dot_general3A_5, %mul3A_6 : vector<8x2048xf32>
    %tanh3A = math.tanh %mul3A_7 : vector<8x2048xf32>
    %mul3A_8 = arith.constant 3.000000e+01 : f32
    %mul3A_9 = vector.broadcast %mul3A_8 : f32 to vector<8x2048xf32>
    %mul3A_10 = arith.mulf %tanh3A, %mul3A_9 : vector<8x2048xf32>
    %swap3A = arith.constant 0 : index
    %swap3A_11 = arith.constant 0 : index
    %swap3A_12 = vector.load %arg3[%swap3A, %swap3A_11] : memref<8x2048xf32, #tpu.memory_space<vmem>>, vector<8x2048xf32>
    tpu.vector_store %arg3[%swap3A, %swap3A_11], %mul3A_10 {strides = array<i32>} : memref<8x2048xf32, #tpu.memory_space<vmem>>, vector<8x2048xf32>,
    return
  }
  func.func @transform_0(%arg0: i32) -> (i32, i32) {
    %c0_i32 = arith.constant 0 : i32
    %c0_i32_0 = arith.constant 0 : i32
    return %arg0, %c0_i32 : i32, i32
  }
  func.func @transform_1(%arg0: i32) -> (i32, i32) {
    %c0_i32 = arith.constant 0 : i32
    %c0_i32_0 = arith.constant 0 : i32
    %c0_i32_1 = arith.constant 0 : i32
    return %c0_i32, %c0_i32_0 : i32, i32
  }
  func.func @transform_2(%arg0: i32) -> (i32, i32) {
    %c0_i32 = arith.constant 0 : i32
    %c0_i32_0 = arith.constant 0 : i32
    return %c0_i32, %arg0 : i32, i32
  }
}

module attributes {stable_mosaic.version = 14 : i64} {
  func.func @_fused_tc_body(%arg0: i32, %arg1: memref<2048x768xf32, #tpu.memory_space<vmem>>, %arg2: memref<8x768xf32, #tpu.memory_space<vmem>>, %arg3: memref<2x2048xf32, #tpu.memory_space<vmem>>, %arg4: memref<2x2048xi32, #tpu.memory_space<vmem>>) attributes {dimension_semantics = [#tpu.dimension_semantics<arbitrary>], iteration_bounds = array<i64: 8>, scalar_prefetch = 0 : i64, scratch_operands = 0 : i64, tpu.core_type = #tpu.core_type<tc>, window_params = [{transform_indices = @transform_0, window_bounds = array<i64: 2048, 768>}, {pipeline_mode = #tpu.pipeline_mode<synchronous>, transform_indices = @transform_1, window_bounds = array<i64: 8, 768>}, {transform_indices = @transform_2, window_bounds = array<i64: 2, 2048>}, {transform_indices = @transform_3, window_bounds = array<i64: 2, 2048>}]} {
    %get3A = arith.constant 0 : index
    %get3A_0 = arith.constant 0 : index
    %get3A_1 = vector.load %arg2[%get3A, %get3A_0] : memref<8x768xf32, #tpu.memory_space<vmem>>, vector<8x768xf32>
    %get3A_2 = arith.constant 0 : index
    %get3A_3 = arith.constant 0 : index
    %get3A_4 = vector.load %arg1[%get3A_2, %get3A_3] : memref<2048x768xf32, #tpu.memory_space<vmem>>, vector<2048x768xf32>
    %dot_general3A = arith.constant dense<0.000000e+00> : vector<8x2048xf32>
    %dot_general3A_5 = tpu.matmul %get3A_1, %get3A_4, %dot_general3A {dimension_numbers = #tpu.dot_dimension_numbers<[1], [1], [0], [0], [0, 0, 1, 0], [], []>, transpose_lhs_hint = false} : vector<8x768xf32>, vector<2048x768xf32>, vector<8x2048xf32> -> vector<8x2048xf32>
    %mul3A = arith.constant 0.0333333351 : f32
    %mul3A_6 = vector.broadcast %mul3A : f32 to vector<8x2048xf32>
    %mul3A_7 = arith.mulf %dot_general3A_5, %mul3A_6 : vector<8x2048xf32>
    %tanh3A = math.tanh %mul3A_7 : vector<8x2048xf32>
    %mul3A_8 = arith.constant 3.000000e+01 : f32
    %mul3A_9 = vector.broadcast %mul3A_8 : f32 to vector<8x2048xf32>
    %mul3A_10 = arith.mulf %tanh3A, %mul3A_9 : vector<8x2048xf32>
    %iota3A = tpu.iota {dimensions = array<i32: 0>} : vector<8x2048xi32>
    %reduce_max3A = arith.constant dense<0xFF800000> : vector<2048xf32>
    %reduce_max3A_11 = vector.multi_reduction <maximumf>, %mul3A_10, %reduce_max3A [0] : vector<8x2048xf32> to vector<2048xf32>
    %broadcast_in_dim3A = vector.shape_cast %reduce_max3A_11 : vector<2048xf32> to vector<1x2048xf32>
    %eq3A = vector.broadcast %broadcast_in_dim3A : vector<1x2048xf32> to vector<8x2048xf32>
    %eq3A_12 = arith.cmpf oeq, %mul3A_10, %eq3A : vector<8x2048xf32>
    %jit3A = arith.constant 8 : i32
    %broadcast_in_dim3A_13 = vector.broadcast %jit3A : i32 to vector<8x2048xi32>
    %select_n3A = arith.select %eq3A_12, %iota3A, %broadcast_in_dim3A_13 : vector<8x2048xi1>, vector<8x2048xi32>
    %reduce_min3A = arith.constant dense<2147483647> : vector<2048xi32>
    %reduce_min3A_14 = vector.multi_reduction <minsi>, %select_n3A, %reduce_min3A [0] : vector<8x2048xi32> to vector<2048xi32>
    %broadcast_in_dim3A_15 = vector.shape_cast %reduce_min3A_14 : vector<2048xi32> to vector<1x2048xi32>
    %eq3A_16 = vector.broadcast %broadcast_in_dim3A_15 : vector<1x2048xi32> to vector<8x2048xi32>
    %eq3A_17 = arith.cmpi eq, %iota3A, %eq3A_16 : vector<8x2048xi32>
    %jit3A_18 = arith.constant -1.000000e+09 : f32
    %broadcast_in_dim3A_19 = vector.broadcast %jit3A_18 : f32 to vector<8x2048xf32>
    %select_n3A_20 = arith.select %eq3A_17, %broadcast_in_dim3A_19, %mul3A_10 : vector<8x2048xi1>, vector<8x2048xf32>
    %reduce_max3A_21 = arith.constant dense<0xFF800000> : vector<2048xf32>
    %reduce_max3A_22 = vector.multi_reduction <maximumf>, %select_n3A_20, %reduce_max3A_21 [0] : vector<8x2048xf32> to vector<2048xf32>
    %broadcast_in_dim3A_23 = vector.shape_cast %reduce_max3A_22 : vector<2048xf32> to vector<1x2048xf32>
    %eq3A_24 = vector.broadcast %broadcast_in_dim3A_23 : vector<1x2048xf32> to vector<8x2048xf32>
    %eq3A_25 = arith.cmpf oeq, %select_n3A_20, %eq3A_24 : vector<8x2048xf32>
    %jit3A_26 = arith.constant 8 : i32
    %broadcast_in_dim3A_27 = vector.broadcast %jit3A_26 : i32 to vector<8x2048xi32>
    %select_n3A_28 = arith.select %eq3A_25, %iota3A, %broadcast_in_dim3A_27 : vector<8x2048xi1>, vector<8x2048xi32>
    %reduce_min3A_29 = arith.constant dense<2147483647> : vector<2048xi32>
    %reduce_min3A_30 = vector.multi_reduction <minsi>, %select_n3A_28, %reduce_min3A_29 [0] : vector<8x2048xi32> to vector<2048xi32>
    %broadcast_in_dim3A_31 = vector.shape_cast %reduce_min3A_30 : vector<2048xi32> to vector<1x2048xi32>
    %sub3A = arith.subf %broadcast_in_dim3A_23, %broadcast_in_dim3A : vector<1x2048xf32>
    %exp3A = math.exp %sub3A : vector<1x2048xf32>
    %add3A = arith.constant 1.000000e+00 : f32
    %add3A_32 = vector.broadcast %add3A : f32 to vector<1x2048xf32>
    %add3A_33 = arith.addf %add3A_32, %exp3A : vector<1x2048xf32>
    %div3A = arith.constant 1.000000e+00 : f32
    %div3A_34 = vector.broadcast %div3A : f32 to vector<1x2048xf32>
    %div3A_35 = arith.divf %div3A_34, %add3A_33 : vector<1x2048xf32>
    %mul3A_36 = arith.mulf %exp3A, %div3A_35 : vector<1x2048xf32>
    %concatenate3A = tpu.concatenate %div3A_35, %mul3A_36 in 0 : vector<1x2048xf32>, vector<1x2048xf32> -> vector<2x2048xf32>
    %swap3A = arith.constant 0 : index
    %swap3A_37 = arith.constant 0 : index
    %swap3A_38 = vector.load %arg3[%swap3A, %swap3A_37] : memref<2x2048xf32, #tpu.memory_space<vmem>>, vector<2x2048xf32>
    tpu.vector_store %arg3[%swap3A, %swap3A_37], %concatenate3A {strides = array<i32>} : memref<2x2048xf32, #tpu.memory_space<vmem>>, vector<2x2048xf32>,
    %concatenate3A_39 = tpu.concatenate %broadcast_in_dim3A_15, %broadcast_in_dim3A_31 in 0 : vector<1x2048xi32>, vector<1x2048xi32> -> vector<2x2048xi32>
    %swap3A_40 = arith.constant 0 : index
    %swap3A_41 = arith.constant 0 : index
    %swap3A_42 = vector.load %arg4[%swap3A_40, %swap3A_41] : memref<2x2048xi32, #tpu.memory_space<vmem>>, vector<2x2048xi32>
    tpu.vector_store %arg4[%swap3A_40, %swap3A_41], %concatenate3A_39 {strides = array<i32>} : memref<2x2048xi32, #tpu.memory_space<vmem>>, vector<2x2048xi32>,
    return
  }
  func.func @transform_0(%arg0: i32) -> (i32, i32) {
    %add3A = arith.constant 8 : i32
    %add3A_0 = arith.addi %arg0, %add3A : i32
    %c0_i32 = arith.constant 0 : i32
    %c0_i32_1 = arith.constant 0 : i32
    return %add3A_0, %c0_i32 : i32, i32
  }
  func.func @transform_1(%arg0: i32) -> (i32, i32) {
    %c0_i32 = arith.constant 0 : i32
    %c0_i32_0 = arith.constant 0 : i32
    %c0_i32_1 = arith.constant 0 : i32
    return %c0_i32, %c0_i32_0 : i32, i32
  }
  func.func @transform_2(%arg0: i32) -> (i32, i32) {
    %c0_i32 = arith.constant 0 : i32
    %c0_i32_0 = arith.constant 0 : i32
    return %c0_i32, %arg0 : i32, i32
  }
  func.func @transform_3(%arg0: i32) -> (i32, i32) {
    %c0_i32 = arith.constant 0 : i32
    %c0_i32_0 = arith.constant 0 : i32
    return %c0_i32, %arg0 : i32, i32
  }
}

</mosaic_0001>

<sc_bundles>
// kernel: kernel.5.cloned.1.call-start
scs
__scs_entry_jumppad:
0x0: {  	(pc) =	sbr.rel $0x88, $3  }
0x1: {  	(tag) =	ssettag $0x0;
	lr =	simm.s32 $0x1  }
0x2: {  	[smem:$0x3F9F] =	sst lr;
	_ =	strace $0xD0000000  }
0x3: {  	_ = 	snop  }
0x4: {  	_ = 	snop  }
0x5: {  	_ = 	snop  }
0x6: {  	_ = 	snop  }
0x7: {  	_ = 	snop  }
__scs_overlays_trampoline_lowered:
0x8: {  	[smem:$0x3FAE] =	sst s0  }
0x9: {  	[smem:$0x3FAF] =	sst s1  }
0xa: {  	[smem:$0x3FB0] =	sst s2  }
0xb: {  	[smem:$0x3FB1] =	sst s3  }
0xc: {  	[smem:$0x3FB2] =	sst s4  }
0xd: {  	[smem:$0x3FB3] =	sst s5  }
0xe: {  	[smem:$0x3FB4] =	sst s6  }
0xf: {  	[smem:$0x3FB5] =	sst s7  }
0x10: {  	[smem:$0x3FB6] =	sst s8  }
0x11: {  	[smem:$0x3FB7] =	sst s9;
	s0 =	simm.s32 @!p0 $0x0  }
0x12: {  	s1 =	sld [smem:$0x3F9D];
	s0 =	simm.s32 @p0 $0x1  }
0x13: {  	[smem:$0x3FB8] =	sst s0;
	s0 =	simm.s32 @!p1 $0x0  }
0x14: {  	s2 =	sld [smem:$0x3F9C];
	s0 =	simm.s32 @p1 $0x1  }
0x15: {  	[smem:$0x3FB9] =	sst s0;
	s0 =	simm.s32 @!p2 $0x0  }
0x16: {  	s3 =	sld [smem:$0x3FDB];
	s0 =	simm.s32 @p2 $0x1  }
0x17: {  	s4 =	simm.s32 $0x1BF5;
	[smem:$0x3FBB] =	sst s0  }
0x18: {  	s0 =	sld [smem:$0x3F9E];
	_ =	swait.ge [sflag:s4], $0x0  }
0x19: {  	s7 =	sld [smem:$0x3F9F]  }
0x1a: {  	s8 =	sadd.s32 $0xFFFFE003, lr  }
0x1b: {  	s9 =	sadd.s32 $0xFFFFFEF7, lr;
	s5 =	simm.s32 $0xFFFFFFFF;
	p2 =	slt.u32 s8, $0xFFFFF086  }
0x1c: {  	p1 =	slt.u32 s9, $0xF7A;
	s5 =	simm.s32 @!p2 $0x0  }
0x1d: {  	s5 =	simm.s32 @p1 $0x1;
	p0 =	seq.s32 s7, s2  }
0x1e: {  	s7 =	smul.u32 @!p0 $0xF7A, s2;
	p2 =	seq.s32 @!p0 s5, $0x0  }
0x1f: {  	s9 =	smul.u32 $0xF7A, s1;
	s8 =	simm.s32 @!p0 $0x1BF5;
	p2 =	por !p2, p0  }
0x20: {  	[sflag:s8] =	ssyncset.s32 @!p0 $0xFFFFF086;
	s6 =	sadd.s32 @!p0 s3, s7;
	s7 =	simm.s32 @!p0 $0x108  }
0x21: {  	s3 =	sadd.s32 s3, s9;
	s6 =	sadd.s32 @!p0 $0x88, s6;
	s7 =	simm.s32 @p2 $0x1082  }
0x22: {  	[simem:s7], [sflag:s8] =	dma.local @!p0 [hbm:s6], $0xF7A  }
0x23: {  	s9 =	sor.u32 $0xD0000000, s2;
	s6 =	simm.s32 $0x108;
	_ =	swait.ge @!p0 [sflag:s8], $0x0  }
0x24: {  	s3 =	sadd.s32 $0x88, s3;
	s6 =	simm.s32 @!p1 $0x1082;
	[sflag:s4] =	ssyncset.s32 $0xFFFFF086  }
0x25: {  	[simem:s6], [sflag:s4] =	dma.local [hbm:s3], $0xF7A  }
0x26: {  	[smem:$0x3F9F] =	sst s1;
	(tag) =	ssettag s2;
	_ =	strace s9  }
0x27: {  	s1 =	sld [smem:$0x3FAF]  }
0x28: {  	s2 =	sld [smem:$0x3FB0]  }
0x29: {  	s4 =	sld [smem:$0x3FB2]  }
0x2a: {  	p0 =	seq.s32 s5, $0x0;
	s5 =	sld [smem:$0x3FB3]  }
0x2b: {  	s6 =	sld [smem:$0x3FB4]  }
0x2c: {  	s7 =	sld [smem:$0x3FB5]  }
0x2d: {  	s3 =	simm.s32 $0x108;
	s8 =	sld [smem:$0x3FB6]  }
0x2e: {  	s3 =	simm.s32 @!p0 $0x1082;
	s9 =	sld [smem:$0x3FB7]  }
0x2f: {  	lr =	sadd.s32 s0, s3;
	s0 =	sld [smem:$0x3FAE]  }
0x30: {  	s3 =	sld [smem:$0x3FB1]  }
0x31: {  	[smem:$0x3FBA] =	sst s10  }
0x32: {  	s10 =	sld [smem:$0x3FB8];
	_ =	sdelay $0x3  }
0x33: {  	p0 =	seq.s32 s10, $0x1;
	s10 =	sld [smem:$0x3FBA];
	_ =	sdelay $0x3  }
0x34: {  	[smem:$0x3FBA] =	sst s10  }
0x35: {  	s10 =	sld [smem:$0x3FB9];
	_ =	sdelay $0x3  }
0x36: {  	p1 =	seq.s32 s10, $0x1;
	s10 =	sld [smem:$0x3FBA];
	_ =	sdelay $0x3  }
0x37: {  	[smem:$0x3FBA] =	sst s10  }
0x38: {  	s10 =	sld [smem:$0x3FBB]  }
0x39: {  	_ = 	snop;
	(pc) =	sbr.ind lr, $3  }
0x3a: {  	_ = 	snop  }
0x3b: {  	_ = 	snop  }
0x3c: {  	p2 =	seq.s32 s10, $0x1;
	s10 =	sld [smem:$0x3FBA]  }
0x3d: {  	_ =	shalt  }
0x3e: {  	_ =	shalt  }
0x3f: {  	_ =	shalt  }
0x40: {  	_ =	shalt  }
0x41: {  	_ =	shalt  }
0x42: {  	_ =	shalt  }
0x43: {  	_ =	shalt  }
0x44: {  	_ =	shalt  }
0x45: {  	_ =	shalt  }
0x46: {  	_ =	shalt  }
0x47: {  	_ =	shalt  }
0x48: {  	_ =	shalt  }
0x49: {  	_ =	shalt  }
0x4a: {  	_ =	shalt  }
0x4b: {  	_ =	shalt  }
0x4c: {  	_ =	shalt  }
0x4d: {  	_ =	shalt  }
0x4e: {  	_ =	shalt  }
0x4f: {  	_ =	shalt  }
0x50: {  	_ =	shalt  }
0x51: {  	_ =	shalt  }
0x52: {  	_ =	shalt  }
0x53: {  	_ =	shalt  }
0x54: {  	_ =	shalt  }
0x55: {  	_ =	shalt  }
0x56: {  	_ =	shalt  }
0x57: {  	_ =	shalt  }
0x58: {  	_ =	shalt  }
0x59: {  	_ =	shalt  }
0x5a: {  	_ =	shalt  }
0x5b: {  	_ =	shalt  }
0x5c: {  	_ =	shalt  }
0x5d: {  	_ =	shalt  }
0x5e: {  	_ =	shalt  }
0x5f: {  	_ =	shalt  }
0x60: {  	_ =	shalt  }
0x61: {  	_ =	shalt  }
0x62: {  	_ =	shalt  }
0x63: {  	_ =	shalt  }
0x64: {  	_ =	shalt  }
0x65: {  	_ =	shalt  }
0x66: {  	_ =	shalt  }
0x67: {  	_ =	shalt  }
0x68: {  	_ =	shalt  }
0x69: {  	_ =	shalt  }
0x6a: {  	_ =	shalt  }
0x6b: {  	_ =	shalt  }
0x6c: {  	_ =	shalt  }
0x6d: {  	_ =	shalt  }
0x6e: {  	_ =	shalt  }
0x6f: {  	_ =	shalt  }
0x70: {  	_ =	shalt  }
0x71: {  	_ =	shalt  }
0x72: {  	_ =	shalt  }
0x73: {  	_ =	shalt  }
0x74: {  	_ =	shalt  }
0x75: {  	_ =	shalt  }
0x76: {  	_ =	shalt  }
0x77: {  	_ =	shalt  }
0x78: {  	_ =	shalt  }
0x79: {  	_ =	shalt  }
0x7a: {  	_ =	shalt  }
0x7b: {  	_ =	shalt  }
0x7c: {  	_ =	shalt  }
0x7d: {  	_ =	shalt  }
0x7e: {  	_ =	shalt  }
0x7f: {  	_ =	shalt  }
0x80: {  	_ =	shalt  }
0x81: {  	_ =	shalt  }
0x82: {  	_ =	shalt  }
0x83: {  	_ =	shalt  }
0x84: {  	_ =	shalt  }
0x85: {  	_ =	shalt  }
0x86: {  	_ =	shalt  }
0x87: {  	_ =	shalt  }
.Lfunc_end0:
.L_simem_size_0:
called_computation_lowered:
.L_overlay_start_0:
0x88: {  	s2 =	sld [smem:$0x3FD9]  }
0x89: {  	s3 =	sld [smem:$0x3FFE];
	_ =	sdelay $0x1  }
0x8a: {  	s1 =	srdreg.scid  }
0x8b: {  	s0 =	sand.u32 $0x1, s1  }
0x8c: {  	s14 =	sshll.u32 s0, $0xA;
	s2 =	sadd.s32 s3, s2  }
0x8d: {  	s2 =	sadd.s32 s2, s14  }
0x8e: {  	[smem:$0x3FC6] =	sst s2  }
0x8f: {  	_ = 	snop  }
0x90: {  	s2 =	sld [smem:$0x3FD0];
	_ =	sdelay $0x2  }
0x91: {  	s15 =	simm.s32 $0xA;
	s4 =	simm.s32 $0x10  }
0x92: {  	[smem:s4], [sflag:s15] =	dma.local [hbm:s2], $0x1  }
0x93: {  	_ =	swait.eq [sflag:s15], $0x1  }
0x94: {  	[sflag:s15] =	ssyncset.done $0x0  }
0x95: {  	[sflag:s15] =	ssyncadd.s32 $0xFFFFFFFF  }
0x96: {  	s16 =	sld [smem:$0x10];
	(tm) =	ssettm $0x1  }
0x97: {  	s17 =	sld [smem:$0x3FFB];
	_ =	sdelay $0x3  }
0x98: {  	_ =	strace s17  }
0x99: {  	s3 =	sld [smem:$0x3FFC];
	_ =	sdelay $0x3  }
0x9a: {  	_ =	strace s3  }
0x9b: {  	s3 =	sld [smem:$0x3FFD];
	_ =	sdelay $0x3  }
0x9c: {  	_ =	strace s3  }
0x9d: {  	_ =	strace $0x8FFFFFFF  }
0x9e: {  	s18 =	sld [smem:$0x3FDB];
	_ =	sdelay $0x1  }
0x9f: {  	s19 =	simm.s32 $_scs_section_size  }
0xa0: {  	s5 =	simm.s32 $_size__tile_overlayer_lowered;
	s6 =	simm.s32 $_tile_overlayer_lowered  }
0xa1: {  	s22 =	simm.s32 $0x1BFF;
	s21 =	sshll.u32 s6, $0x1;
	s3 =	sadd.s32 s19, s18  }
0xa2: {  	s7 =	simm.s32 $0x0;
	s20 =	sshll.u32 s5, $0x1;
	s5 =	sadd.s32 s21, s3  }
0xa3: {  	[timem:s7], [sflag:s22] =	dma.local [hbm:s5], s20  }
0xa4: {  	_ =	swait.ge [sflag:s22], s20  }
0xa5: {  	s4 =	ssub.s32 $0x0, s20;
	[sflag:s22] =	ssyncset.done $0x0  }
0xa6: {  	[sflag:s22] =	ssyncadd.s32 s4;
	_ =	sdelay $0x1  }
0xa7: {  	s23 =	simm.s32 $0x1B8B  }
0xa8: {  	_ =	swait.ge [sflag:s23], $0x1  }
0xa9: {  	[sflag:s23] =	ssyncset.done $0x0  }
0xaa: {  	s25 =	simm.s32 $0x1B8E;
	s24 =	sld [smem:$0x3FFE];
	[sflag:s23] =	ssyncadd.s32 $0xFFFFFFFF  }
0xab: {  	s26 =	simm.s32 $execute0_lowered;
	[smem:$0x3FD2] =	sst s25  }
0xac: {  	s5 =	sshll.u32 s26, $0x1;
	_ =	strace $0x80000046;
	[dreg:$0x1] =	wrdreg $0xFFFFFFFF  }
0xad: {  	s28 =	simm.s32 $_size_execute0_lowered;
	s3 =	sadd.s32 s3, s5;
	[dreg:$0x0] =	wrdreg $0x0  }
0xae: {  	s5 =	sshll.u32 s28, $0x1;
	[dreg:$0x2] =	wrdreg s3  }
0xaf: {  	[dreg:$0x3] =	wrdreg s5  }
0xb0: {  	[dreg:$0x4] =	wrdreg $0xC0  }
0xb1: {  	_ =	task [dreg:s7], $0x5FFFF  }
0xb2: {  	[dreg:$0x1] =	wrdreg $0xFFFFFFFF  }
0xb3: {  	[dreg:$0x0] =	wrdreg $0x60  }
0xb4: {  	[dreg:$0x2] =	wrdreg s24  }
0xb5: {  	[dreg:$0x3] =	wrdreg s16  }
0xb6: {  	[dreg:$0x4] =	wrdreg $0x9  }
0xb7: {  	_ =	task.clear_ibuf [dreg:s7], $0x5FFFF;
	_ =	strace $0x90000046  }
0xb8: {  	s29 =	simm.s32 $0x9;
	_ =	strace $0x80000048  }
0xb9: {  	_ =	swait.ge [sflag:s29], $0x1  }
0xba: {  	[sflag:s29] =	ssyncadd.s32 $0xFFFFFFFF  }
0xbb: {  	_ =	strace $0x90000048  }
0xbc: {  	_ =	sfence  }
0xbd: {  	s30 =	sld [smem:$0x0];
	_ =	sdelay $0x2  }
0xbe: {  	s31 =	sshll.u32 s1, $0xD;
	s1 =	sshrl.u32 s1, $0x2  }
0xbf: {  	s3 =	sand.u32 $0x4000, s31;
	s1 =	sadd.s32 s1, s30  }
0xc0: {  	s0 =	sor.u32 s3, s0;
	s1 =	sshll.u32 s1, $0x11  }
0xc1: {  	s0 =	sor.u32 s1, s0  }
0xc2: {  	s0 =	sadd.s32 $0x8F2B, s0  }
0xc3: {  	[sflag:s0] =	ssyncadd.remote.s32 $0x1  }
0xc4: {  	_ =	sfence.sel $0xFFFF  }
0xc5: {  	[dreg:$0x0] =	wrdreg $0xFFFFFFFF;
	(pc) =	sbr.abs _section_cstart, $3  }
0xc6: {  	[dreg:$0x1] =	wrdreg $0xFFFFFFFF  }
0xc7: {  	_ =	task.clear_ibuf [dreg:s7], $0x2FFFF;
	_ =	strace $0x9FFFFFFF  }
0xc8: {  	(tm) =	ssettm $0x7FFFFFFF  }
0xc9: {  	_ =	shalt  }
tec
execute0_lowered:
.L_overlay_start_1:
0x0: {  	(tag) =	ssettag $0x1  }
0x1: {  	s3 =	rddreg [dreg:$0x0]  }
0x2: {  	s5 =	rddreg [dreg:$0x1];
	s2 =	srdreg.scid  }
0x3: {  	s0 =	rddreg [dreg:$0x2];
	s1 =	stileid.u32  }
0x4: {  	s10 =	simm.s32 $0x0;
	s4 =	sand.u32 $0x1, s2;
	s2 =	simm.s32 $0x0  }
0x5: {  	s6 =	sshll.u32 s1, $0xA;
	s7 =	sshll.u32 s4, $0x9;
	[smem:$0x7FF] =	sst s2  }
0x6: {  	s4 =	ssub.s32 $0x2, s4;
	s6 =	sor.u32 s7, s6;
	_ =	strace $0x80000047  }
0x7: {  	s31 =	sshrl.u32 s4, $0x1;
	s7 =	sshrl.u32 s6, $0x2;
	s6 =	sadd.s32 s6, s3  }
0x8: {  	s9 =	ssub.s32 s4, s31;
	s8 =	sadd.s32 s7, s3;
	s3 =	sadd.s32 $0xE00, s6  }
0x9: {  	s5 =	sadd.s32 s5, s7;
	s6 =	smax.u32 s9, $0x1;
	s7 =	simm.s32 $0x1  }
0xa: {  	v0 =	vimm.s32 $0x0;
	s9 =	simm.s32 $0x1400;
	s4 =	sadd.s32 $0x4E00, s8;
	s8 =	simm.s32 $0x1000  }
.LBB2_1:
0xb: {  	[tilespmem:s2], [sflag:$0x1] =	stream.linear.gather [hbm4b:s3+s2], $0x1000, $0x38;
	[tilespmem:$0x1800] =	vst v63  }
0xc: {  	s12 =	simm.s32 $0x0;
	_ =	swait.ge [sflag:s7], $0x1000  }
0xd: {  	s11 =	sand.u32 $0x70, s2;
	s12 =	sand.u32 $0x3FFFFC00, s12;
	[sflag:s7] =	ssyncset.done $0x0  }
0xe: {  	s12 =	sor.u32 s11, s12;
	[sflag:s7] =	ssyncadd.s32 $0xFFFFF000  }
0xf: {  	v1 =	vld [tilespmem:s12+$0x0]  }
0x10: {  	v2 =	vld [tilespmem:s12+$0x80];
	_ =	sdelay $0x2  }
0x11: {  	v3 =	vld [tilespmem:s12+$0x100];
	_ =	sdelay $0x1  }
0x12: {  	vm0 =	vgt.f32 v2, v1;
	vm1 =	vgt.f32 v2, $-1.000000020e+30  }
0x13: {  	v4 =	vld [tilespmem:s12+$0x180];
	vm4 =	vmneg vm0;
	v5 =	vnsel vm1, $0xF149F2CA, v2  }
0x14: {  	v5 =	vsel vm4, v5, v1  }
0x15: {  	v1 =	vsel vm4, v1, v2;
	vm5 =	vgt.f32 v3, v5  }
0x16: {  	v2 =	vld [tilespmem:s12+$0x200];
	vm2 =	vgt.f32 v3, v1;
	v5 =	vsel vm5, v3, v5  }
0x17: {  	v5 =	vsel vm2, v1, v5  }
0x18: {  	v1 =	vsel vm2, v3, v1;
	vm6 =	vgt.f32 v4, v5  }
0x19: {  	v3 =	vld [tilespmem:s12+$0x280];
	vm3 =	vgt.f32 v4, v1;
	v5 =	vsel vm6, v4, v5  }
0x1a: {  	v5 =	vsel vm3, v1, v5  }
0x1b: {  	v1 =	vsel vm3, v4, v1;
	vm8 =	vgt.f32 v2, v5  }
0x1c: {  	v61 =	vld [tilespmem:s12+$0x300];
	vm7 =	vgt.f32 v2, v1;
	v5 =	vsel vm8, v2, v5  }
0x1d: {  	v5 =	vsel vm7, v1, v5  }
0x1e: {  	v1 =	vsel vm7, v2, v1;
	vm10 =	vgt.f32 v3, v5  }
0x1f: {  	v2 =	vld [tilespmem:s12+$0x380];
	vm9 =	vgt.f32 v3, v1;
	v5 =	vsel vm10, v3, v5  }
0x20: {  	v5 =	vsel vm9, v1, v5  }
0x21: {  	v1 =	vsel vm9, v3, v1;
	vm13 =	vgt.f32 v61, v5  }
0x22: {  	vm12 =	vgt.f32 v61, v1;
	v3 =	vsel vm13, v61, v5  }
0x23: {  	v3 =	vsel vm12, v1, v3  }
0x24: {  	v1 =	vsel vm12, v61, v1;
	vm14 =	vgt.f32 v2, v3  }
0x25: {  	vm11 =	vgt.f32 v2, v1;
	v3 =	vsel vm14, v2, v3  }
0x26: {  	v2 =	vsel vm11, v2, v1;
	v1 =	vsel vm11, v1, v3  }
0x27: {  	v1 =	vsub.f32 v1, v2;
	_ =	sdelay $0x1  }
0x28: {  	v1 =	vmul.f32 $1.442695020e+00, v1;
	_ =	sdelay $0x1  }
0x29: {  	(erf) = vpow2.f32 v1;
	_ =	sdelay $0x4  }
0x2a: {  	vm1 =	vmand vm4, vm1  }
0x2b: {  	v1 =	vsel vm1, $0x1, v0  }
0x2c: {  	v2 =	vsel vm0, $0x1, v0;
	v1 =	vsel vm5, $0x2, v1  }
0x2d: {  	v1 =	vsel vm2, v2, v1  }
0x2e: {  	v2 =	vsel vm2, $0x2, v2;
	v1 =	vsel vm6, $0x3, v1;
	v3 =	vpop (erf)  }
0x2f: {  	v1 =	vsel vm3, v2, v1;
	v62 =	vadd.f32 $1.000000000e+00, v3  }
0x30: {  	v2 =	vsel vm3, $0x3, v2;
	v1 =	vsel vm8, $0x4, v1  }
0x31: {  	v1 =	vsel vm7, v2, v1;
	(erf) = vrcp.f32 v62  }
0x32: {  	v2 =	vsel vm7, $0x4, v2;
	v1 =	vsel vm10, $0x5, v1  }
0x33: {  	v1 =	vsel vm9, v2, v1  }
0x34: {  	v2 =	vsel vm9, $0x5, v2;
	v1 =	vsel vm13, $0x6, v1  }
0x35: {  	v1 =	vsel vm12, v2, v1  }
0x36: {  	s30 =	simm.s32 $0x0;
	v63 =	vsel vm12, $0x6, v2;
	v1 =	vsel vm14, $0x7, v1  }
0x37: {  	s12 =	sand.u32 $0xFFFFFF00, s30;
	v1 =	vsel vm11, v63, v1  }
0x38: {  	s17 =	sor.u32 s11, s12;
	v2 =	vsel vm11, $0x7, v63  }
0x39: {  	[tilespmem:s17+$0x1400] =	vst v2  }
0x3a: {  	s31 =	simm.s32 $0x10;
	s18 =	simm.s32 $0x2;
	s16 =	simm.s32 $0x80;
	[tilespmem:s17+$0x1480] =	vst v1;
	v1 =	vpop (erf)  }
0x3b: {  	s13 =	simm.s32 $0x20;
	s12 =	simm.s32 $0x1;
	s11 =	sand.u32 $0x70, s31;
	[tilespmem:s17+$0x1000] =	vst v1;
	v1 =	vmul.f32 v1, v3  }
.LBB2_2:
0x3c: {  	s15 =	sand.u32 $0x70, s13  }
0x3d: {  	s19 =	sand.u32 $0x3FFFFC00, s16;
	s16 =	smov.u32 s18;
	s14 =	sadd.s32 $0x1, s18  }
0x3e: {  	p0 =	sne.s32 s18, $0x1F;
	s18 =	sor.u32 s11, s19;
	[tilespmem:s17+$0x1080] =	vst v1  }
0x3f: {  	v1 =	vld [tilespmem:s18+$0x0]  }
0x40: {  	v2 =	vld [tilespmem:s18+$0x80];
	_ =	sdelay $0x1  }
0x41: {  	v3 =	vld [tilespmem:s18+$0x100];
	_ =	sdelay $0x2  }
0x42: {  	vm0 =	vgt.f32 v2, v1;
	vm1 =	vgt.f32 v2, $-1.000000020e+30;
	v4 =	vld [tilespmem:s18+$0x180]  }
0x43: {  	vm2 =	vmneg vm0;
	v5 =	vnsel vm1, $0xF149F2CA, v2;
	v6 =	vsel vm0, $0x1, v0  }
0x44: {  	v5 =	vsel vm2, v5, v1;
	vm0 =	vmand vm2, vm1;
	v1 =	vsel vm2, v1, v2  }
0x45: {  	v2 =	vsel vm0, $0x1, v0;
	vm0 =	vgt.f32 v3, v1;
	vm1 =	vgt.f32 v3, v5;
	v7 =	vld [tilespmem:s18+$0x200]  }
0x46: {  	v5 =	vsel vm1, v3, v5;
	v2 =	vsel vm1, $0x2, v2;
	v3 =	vsel vm0, v3, v1  }
0x47: {  	v1 =	vsel vm0, v1, v5;
	v2 =	vsel vm0, v6, v2  }
0x48: {  	v5 =	vsel vm0, $0x2, v6;
	vm0 =	vgt.f32 v4, v3;
	vm1 =	vgt.f32 v4, v1;
	v6 =	vld [tilespmem:s18+$0x280]  }
0x49: {  	v1 =	vsel vm1, v4, v1;
	v2 =	vsel vm1, $0x3, v2;
	v4 =	vsel vm0, v4, v3  }
0x4a: {  	v1 =	vsel vm0, v3, v1;
	v2 =	vsel vm0, v5, v2  }
0x4b: {  	vm1 =	vgt.f32 v7, v4;
	vm2 =	vgt.f32 v7, v1;
	v3 =	vld [tilespmem:s18+$0x300]  }
0x4c: {  	v1 =	vsel vm2, v7, v1;
	v2 =	vsel vm2, $0x4, v2;
	v7 =	vsel vm1, v7, v4  }
0x4d: {  	v5 =	vsel vm0, $0x3, v5;
	v1 =	vsel vm1, v4, v1  }
0x4e: {  	v4 =	vsel vm1, $0x4, v5;
	vm0 =	vgt.f32 v6, v7;
	vm2 =	vgt.f32 v6, v1;
	v8 =	vld [tilespmem:s18+$0x380]  }
0x4f: {  	v2 =	vsel vm1, v5, v2;
	v5 =	vsel vm0, $0x5, v4;
	v1 =	vsel vm2, v6, v1  }
0x50: {  	v2 =	vsel vm2, $0x5, v2;
	v6 =	vsel vm0, v6, v7;
	v1 =	vsel vm0, v7, v1  }
0x51: {  	v2 =	vsel vm0, v4, v2;
	vm0 =	vgt.f32 v3, v6;
	vm1 =	vgt.f32 v3, v1  }
0x52: {  	v4 =	vsel vm0, $0x6, v5;
	v1 =	vsel vm1, v3, v1;
	v2 =	vsel vm1, $0x6, v2  }
0x53: {  	v3 =	vsel vm0, v3, v6;
	v1 =	vsel vm0, v6, v1;
	v2 =	vsel vm0, v5, v2  }
0x54: {  	s17 =	sshll.u32 s12, $0x5;
	s12 =	smov.u32 s16;
	vm0 =	vgt.f32 v8, v3;
	vm1 =	vgt.f32 v8, v1  }
0x55: {  	s16 =	sand.u32 $0xFFFFFF00, s17;
	v5 =	vsel vm0, v8, v3;
	v1 =	vsel vm1, v8, v1;
	v2 =	vsel vm1, $0x7, v2  }
0x56: {  	s17 =	sor.u32 s11, s16;
	s11 =	smov.u32 s15;
	v1 =	vsel vm0, v3, v1;
	v2 =	vsel vm0, v4, v2;
	v3 =	vsel vm0, $0x7, v4  }
0x57: {  	v1 =	vsub.f32 v1, v5;
	[tilespmem:s17+$0x1400] =	vst v3  }
0x58: {  	[tilespmem:s17+$0x1480] =	vst v2  }
0x59: {  	v1 =	vmul.f32 $1.442695020e+00, v1;
	_ =	sdelay $0x1  }
0x5a: {  	(erf) = vpow2.f32 v1;
	_ =	sdelay $0x8  }
0x5b: {  	v1 =	vpop (erf)  }
0x5c: {  	v2 =	vadd.f32 $1.000000000e+00, v1;
	_ =	sdelay $0x1  }
0x5d: {  	(erf) = vrcp.f32 v2;
	_ =	sdelay $0x5  }
.Ltmp0:
0x5e: {  	(pc) =	sbr.rel @p0 .LBB2_2-.Ltmp0, $3  }
0x5f: {  	_ =	sdelay $0x1  }
0x60: {  	v2 =	vpop (erf)  }
0x61: {  	s13 =	sadd.s32 $0x10, s13;
	s16 =	sshll.u32 s12, $0x7;
	s18 =	smov.u32 s14;
	[tilespmem:s17+$0x1000] =	vst v2;
	v1 =	vmul.f32 v2, v1  }
0x62: {  	s13 =	sand.u32 $0x3FFFFC00, s16  }
0x63: {  	s13 =	sor.u32 s11, s13;
	[tilespmem:s17+$0x1080] =	vst v1  }
0x64: {  	v1 =	vld [tilespmem:s13+$0x0]  }
0x65: {  	v2 =	vld [tilespmem:s13+$0x80];
	_ =	sdelay $0x2  }
0x66: {  	v3 =	vld [tilespmem:s13+$0x100];
	_ =	sdelay $0x1  }
0x67: {  	vm0 =	vgt.f32 v2, v1;
	vm1 =	vgt.f32 v2, $-1.000000020e+30  }
0x68: {  	v4 =	vld [tilespmem:s13+$0x180];
	vm4 =	vmneg vm0;
	v5 =	vnsel vm1, $0xF149F2CA, v2  }
0x69: {  	v5 =	vsel vm4, v5, v1  }
0x6a: {  	v1 =	vsel vm4, v1, v2;
	vm5 =	vgt.f32 v3, v5  }
0x6b: {  	v2 =	vld [tilespmem:s13+$0x200];
	vm2 =	vgt.f32 v3, v1;
	v5 =	vsel vm5, v3, v5  }
0x6c: {  	v5 =	vsel vm2, v1, v5  }
0x6d: {  	v1 =	vsel vm2, v3, v1;
	vm6 =	vgt.f32 v4, v5  }
0x6e: {  	v3 =	vld [tilespmem:s13+$0x280];
	vm3 =	vgt.f32 v4, v1;
	v5 =	vsel vm6, v4, v5  }
0x6f: {  	v5 =	vsel vm3, v1, v5  }
0x70: {  	v1 =	vsel vm3, v4, v1;
	vm8 =	vgt.f32 v2, v5  }
0x71: {  	v61 =	vld [tilespmem:s13+$0x300];
	vm7 =	vgt.f32 v2, v1;
	v5 =	vsel vm8, v2, v5  }
0x72: {  	v5 =	vsel vm7, v1, v5  }
0x73: {  	v1 =	vsel vm7, v2, v1;
	vm10 =	vgt.f32 v3, v5  }
0x74: {  	v2 =	vld [tilespmem:s13+$0x380];
	vm9 =	vgt.f32 v3, v1;
	v5 =	vsel vm10, v3, v5  }
0x75: {  	v5 =	vsel vm9, v1, v5  }
0x76: {  	v1 =	vsel vm9, v3, v1;
	vm13 =	vgt.f32 v61, v5  }
0x77: {  	vm11 =	vgt.f32 v61, v1;
	v3 =	vsel vm13, v61, v5  }
0x78: {  	v3 =	vsel vm11, v1, v3  }
0x79: {  	v1 =	vsel vm11, v61, v1;
	vm14 =	vgt.f32 v2, v3  }
0x7a: {  	vm12 =	vgt.f32 v2, v1;
	v3 =	vsel vm14, v2, v3  }
0x7b: {  	v2 =	vsel vm12, v2, v1;
	v1 =	vsel vm12, v1, v3  }
0x7c: {  	v1 =	vsub.f32 v1, v2;
	_ =	sdelay $0x1  }
0x7d: {  	v1 =	vmul.f32 $1.442695020e+00, v1;
	_ =	sdelay $0x1  }
0x7e: {  	(erf) = vpow2.f32 v1;
	_ =	sdelay $0x6  }
0x7f: {  	vm1 =	vmand vm4, vm1  }
0x80: {  	v1 =	vsel vm1, $0x1, v0  }
0x81: {  	v3 =	vsel vm0, $0x1, v0;
	v1 =	vsel vm5, $0x2, v1;
	v2 =	vpop (erf)  }
0x82: {  	v1 =	vsel vm2, v3, v1;
	v62 =	vadd.f32 $1.000000000e+00, v2  }
0x83: {  	v3 =	vsel vm2, $0x2, v3;
	v1 =	vsel vm6, $0x3, v1  }
0x84: {  	v1 =	vsel vm3, v3, v1;
	(erf) = vrcp.f32 v62  }
0x85: {  	v3 =	vsel vm3, $0x3, v3;
	v1 =	vsel vm8, $0x4, v1  }
0x86: {  	v1 =	vsel vm7, v3, v1  }
0x87: {  	v3 =	vsel vm7, $0x4, v3;
	v1 =	vsel vm10, $0x5, v1  }
0x88: {  	v1 =	vsel vm9, v3, v1;
	v3 =	vsel vm9, $0x5, v3  }
0x89: {  	v1 =	vsel vm13, $0x6, v1;
	v63 =	vsel vm11, $0x6, v3  }
0x8a: {  	s12 =	sshll.u32 s12, $0x5;
	v1 =	vsel vm11, v3, v1;
	v3 =	vsel vm12, $0x7, v63  }
0x8b: {  	s12 =	sand.u32 $0xFFFFFF00, s12  }
0x8c: {  	s31 =	sor.u32 s11, s12;
	v1 =	vsel vm14, $0x7, v1  }
0x8d: {  	[tilespmem:s31+$0x1400] =	vst v3;
	v1 =	vsel vm12, v63, v1;
	v3 =	vpop (erf)  }
0x8e: {  	[tilespmem:s31+$0x1480] =	vst v1;
	v1 =	vmul.f32 v3, v2  }
0x8f: {  	[tilespmem:s31+$0x1000] =	vst v3  }
0x90: {  	[tilespmem:s31+$0x1080] =	vst v1  }
0x91: {  	[hbm4b:s4+s2] =	stream.linear.scatter [tilespmem:s8], [sflag:$0x1], $0x400, $0x38;
	[tilespmem:$0x1800] =	vst v63  }
0x92: {  	s10 =	sadd.s32 $0x1, s10;
	_ =	swait.ge [sflag:s7], $0x400  }
0x93: {  	p0 =	sne.s32 s10, s6;
	[sflag:s7] =	ssyncset.done $0x0  }
.Ltmp1:
0x94: {  	[sflag:s7] =	ssyncadd.s32 $0xFFFFFC00;
	(pc) =	sbr.rel @p0 .LBB2_1-.Ltmp1, $4  }
0x95: {  	[hbm4b:s5+s2] =	stream.linear.scatter [tilespmem:s9], [sflag:$0x1], $0x400, $0x38;
	[tilespmem:$0x1800] =	vst v63  }
0x96: {  	_ =	swait.ge [sflag:s7], $0x400  }
0x97: {  	[sflag:s7] =	ssyncset.done $0x0  }
0x98: {  	[sflag:s7] =	ssyncadd.s32 $0xFFFFFC00  }
0x99: {  	_ =	sfence.sel $0x180000  }
0x9a: {  	[bflag:$0x0] =	sbarrier.arrive $0xFFFF  }
0x9b: {  	p0 =	sne.s32 s1, $0x0;
	_ =	strace $0x90000047  }
0x9c: {  	s0 =	sadd.s32 @!p0 $0x100000, s0;
	[bflag:$0x2] =	sbarrier.arrive $0xFFFF  }
0x9d: {  	[sflag:s0] =	ssyncadd.tile.s32 @!p0 $0x1;
	_ =	shalt  }
.Lfunc_end2:
_tile_overlayer_lowered:
.L_overlay_start_2:
0x9e: {  	(tag) =	ssettag $0x2  }
0x9f: {  	s0 =	rddreg [dreg:$0x0];
	s2 =	stileid.u32  }
0xa0: {  	s1 =	rddreg [dreg:$0x1];
	p0 =	sne.s32 s2, $0x0  }
0xa1: {  	s3 =	rddreg [dreg:$0x2];
	[bflag:$0x3] =	sbarrier.arrive $0xFFFF;
	s2 =	simm.s32 @!p0 $0x1C01  }
0xa2: {  	[timem:s3], [sflag:s2] =	dma.local @!p0 [hbm:s0], s1  }
0xa3: {  	s0 =	simm.s32 @!p0 $0x1  }
0xa4: {  	_ =	swait.ge @!p0 [sflag:s0], s1  }
0xa5: {  	s1 =	ssub.s32 @!p0 $0x0, s1;
	[sflag:s0] =	ssyncset.done @!p0 $0x0  }
0xa6: {  	[sflag:s0] =	ssyncadd.s32 @!p0 s1  }
0xa7: {  	[bflag:$0x3] =	sbarrier.arrive $0xFFFF  }
0xa8: {  	_ =	shalt  }

</sc_bundles>
